<compile_context>
chip_gen: v7x
topology: tpu7x:2x2x1
jax: 0.10.2.dev20260603
libtpu: 0.0.44.dev20260713+nightly
codegen_flags: <defaults>
</compile_context>

<pallas_src>
import functools

import jax
import jax.numpy as jnp
import numpy as np
from jax import lax
from jax.experimental import pallas as pl
from jax.experimental.pallas import tpu as pltpu
from jax.experimental.pallas import tpu_sc as plsc

_BATCH = 128
_DIM = 4096
_N_STEPS = 8
_NC, _NS, _L = 2, 16, 16
_NW = _NC * _NS
_ROWS_PER_W = _BATCH // _NW


def _threefry2x32(k0, k1, x0, x1):
    x0 = x0.astype(np.uint64)
    x1 = x1.astype(np.uint64)
    mask = np.uint64(0xFFFFFFFF)
    ks = [np.uint64(k0), np.uint64(k1),
          (np.uint64(k0) ^ np.uint64(k1) ^ np.uint64(0x1BD11BDA)) & mask]
    rot = [[13, 15, 26, 6], [17, 29, 16, 24]]
    x0 = (x0 + ks[0]) & mask
    x1 = (x1 + ks[1]) & mask
    for i in range(5):
        for r in rot[i % 2]:
            x0 = (x0 + x1) & mask
            x1 = ((x1 << np.uint64(r)) | (x1 >> np.uint64(32 - r))) & mask
            x1 = x1 ^ x0
        x0 = (x0 + ks[(i + 1) % 3]) & mask
        x1 = (x1 + ks[(i + 2) % 3] + np.uint64(i + 1)) & mask
    return x0.astype(np.uint32), x1.astype(np.uint32)


def _gibbs_uniforms():
    k = (np.uint32(0), np.uint32(42))
    us = np.empty((_N_STEPS, _BATCH), np.float32)
    for t in range(_N_STEPS):
        a, b = _threefry2x32(k[0], k[1], np.zeros(2, np.uint32),
                             np.arange(2, dtype=np.uint32))
        k = (a[0], b[0])
        sub = (a[1], b[1])
        a, b = _threefry2x32(sub[0], sub[1], np.zeros(_BATCH, np.uint32),
                             np.arange(_BATCH, dtype=np.uint32))
        bits = (a ^ b).astype(np.uint32)
        f = ((bits >> np.uint32(9)) | np.uint32(0x3F800000)).view(np.float32)
        us[t] = np.maximum(0.0, f - 1.0)
    return us


_U_PAD = np.full((_BATCH, _L), 2.0, np.float32)
_U_PAD[:, :_N_STEPS] = _gibbs_uniforms().T

_mesh = plsc.VectorSubcoreMesh(core_axis_name="c", subcore_axis_name="s")


@functools.partial(
    pl.kernel,
    mesh=_mesh,
    out_type=jax.ShapeDtypeStruct((_BATCH, _DIM), jnp.float32),
    scratch_types=[
        pltpu.VMEM((_ROWS_PER_W, _DIM), jnp.float32),
        pltpu.VMEM((_ROWS_PER_W, _L), jnp.float32),
        pltpu.VMEM((1, _L), jnp.float32),
    ],
)
def _sc_gibbs(x_hbm, th_hbm, u_hbm, out_hbm, xv, uv, thv):
    wid = lax.axis_index("s") * _NC + lax.axis_index("c")
    base = wid * _ROWS_PER_W
    pltpu.sync_copy(x_hbm.at[pl.ds(base, _ROWS_PER_W)], xv)
    pltpu.sync_copy(u_hbm.at[pl.ds(base, _ROWS_PER_W)], uv)
    pltpu.sync_copy(th_hbm, thv)
    th = thv[0, :]
    for r in range(_ROWS_PER_W):
        xr = xv[r, 0:_L]
        sign = 1.0 - 2.0 * xr
        p = 1.0 / (1.0 + jnp.exp(-sign * th))
        flip = jnp.where(uv[r, :] < p, 1.0, 0.0)
        xv[r, 0:_L] = xr + flip * sign
    pltpu.sync_copy(xv, out_hbm.at[pl.ds(base, _ROWS_PER_W)])


@jax.jit
def kernel(x, theta):
    th16 = lax.slice(theta, (0,), (_L,)).reshape(1, _L)
    u = jnp.asarray(_U_PAD)
    return _sc_gibbs(x, th16, u)

# --- scband reference (transcript-rebuilt; emitter-appended) ---
"""Pipeline reference for scband-per-dim-gibbs-sampler-80238579024365 (READ-ONLY COPY).

The authoritative reference and input builder live on the scoring server;
editing this copy changes nothing except your own understanding.
"""

import jax, jax.numpy as jnp
import numpy as np

BATCH = 128
DIM = 4096
N_STEPS = 8

def setup_inputs(seed: int = 0) -> dict:
    key = jax.random.key(seed)
    k1, k2 = jax.random.split(key)
    x = jax.random.randint(k1, (BATCH, DIM), 0, 2).astype(jnp.float32)
    theta = jax.random.normal(k2, (DIM,), dtype=jnp.float32) * 0.1
    return {"x": x, "theta": theta}

def reference(x, theta):
    # Faithful translation of PerDimGibbsSampler.step with rand=False.
    # model(s) is a linear energy: s @ theta -> log-prob per chain, shape [B].
    def model(s):
        return s @ theta

    sample = x
    dim = x.shape[1]
    key = jax.random.key(42)
    i = 0
    for _ in range(N_STEPS):
        lp_keep = model(sample)  # [B]
        # deterministic per-dim proposal: flip coordinate i for all chains
        changes = jnp.zeros((x.shape[0], dim), dtype=x.dtype).at[:, i].set(1.0)
        sample_change = (1.0 - changes) * sample + changes * (1.0 - sample)
        lp_change = model(sample_change)  # [B]
        lp_update = lp_change - lp_keep
        # Bernoulli(logits=lp_update).sample()
        key, sub = jax.random.split(key)
        u = jax.random.uniform(sub, lp_update.shape)
        updates = (u < jax.nn.sigmoid(lp_update)).astype(x.dtype)  # [B]
        sample = sample_change * updates[:, None] + sample * (1.0 - updates[:, None])
        i = (i + 1) % dim
    return sample

if __name__ == "__main__":
    import jax
    _d = setup_inputs()
    print(jax.jit(kernel)(*tuple(_d.values())))

</pallas_src>

<mosaic_0001>
#map = affine_map<(d0, d1) -> (0, 0)>
module attributes {stable_mosaic.version = 14 : i64} {
  func.func @_sc_gibbs(%arg0: i32, %arg1: i32, %arg2: memref<128x4096xf32, #tpu.memory_space<hbm>>, %arg3: memref<1x16xf32, #tpu.memory_space<hbm>>, %arg4: memref<128x16xf32, #tpu.memory_space<hbm>>, %arg5: memref<128x4096xf32, #tpu.memory_space<hbm>>, %arg6: memref<4x4096xf32, #tpu.memory_space<vmem>>, %arg7: memref<4x16xf32, #tpu.memory_space<vmem>>, %arg8: memref<1x16xf32, #tpu.memory_space<vmem>>) attributes {dimension_semantics = [#tpu.dimension_semantics<core_parallel>, #tpu.dimension_semantics<subcore_parallel>], iteration_bounds = array<i64: 2, 16>, scalar_prefetch = 0 : i64, scratch_operands = 3 : i64, tpu.core_type = #tpu.core_type<sc_vector_subcore>, window_params = [{transform_indices = #map}, {transform_indices = #map}, {transform_indices = #map}, {transform_indices = #map}]} {
    %mul3A = arith.constant 2 : i32
    %mul3A_0 = arith.muli %arg1, %mul3A : i32
    %add3A = arith.addi %mul3A_0, %arg0 : i32
    %mul3A_1 = arith.constant 4 : i32
    %mul3A_2 = arith.muli %add3A, %mul3A_1 : i32
    "tpu.region"() ({
      %run_scoped3A = tpu.sem_alloc : memref<!tpu.dma_semaphore, #tpu.memory_space<semaphore_mem>>
      %dma_start3A = arith.constant 0 : i32
      %dma_start3A_162 = tpu.memref_slice %arg2[%mul3A_2, %dma_start3A] : memref<128x4096xf32, #tpu.memory_space<hbm>> -> memref<4x4096xf32, #tpu.memory_space<hbm>>
      %dma_start3A_163 = arith.constant 0 : i32
      %dma_start3A_164 = tpu.memref_slice %arg2[%mul3A_2, %dma_start3A_163] : memref<128x4096xf32, #tpu.memory_space<hbm>> -> memref<4x4096xf32, #tpu.memory_space<hbm>>
      tpu.enqueue_dma source(%dma_start3A_164 : memref<4x4096xf32, #tpu.memory_space<hbm>>) target(%arg6 : memref<4x4096xf32, #tpu.memory_space<vmem>>) target_semaphore(%run_scoped3A : memref<!tpu.dma_semaphore, #tpu.memory_space<semaphore_mem>>)
      %dma_wait3A = arith.constant 0 : i32
      %dma_wait3A_165 = tpu.memref_slice %arg2[%mul3A_2, %dma_wait3A] : memref<128x4096xf32, #tpu.memory_space<hbm>> -> memref<4x4096xf32, #tpu.memory_space<hbm>>
      %dma_wait3A_166 = arith.constant 0 : i32
      %dma_wait3A_167 = tpu.memref_slice %arg2[%mul3A_2, %dma_wait3A_166] : memref<128x4096xf32, #tpu.memory_space<hbm>> -> memref<4x4096xf32, #tpu.memory_space<hbm>>
      tpu.wait_dma2 semaphore(%run_scoped3A : memref<!tpu.dma_semaphore, #tpu.memory_space<semaphore_mem>>) src(%dma_wait3A_167 : memref<4x4096xf32, #tpu.memory_space<hbm>>) dst(%arg6 : memref<4x4096xf32, #tpu.memory_space<vmem>>)
      tpu.yield
    }) : () -> ()
    "tpu.region"() ({
      %run_scoped3A = tpu.sem_alloc : memref<!tpu.dma_semaphore, #tpu.memory_space<semaphore_mem>>
      %dma_start3A = arith.constant 0 : i32
      %dma_start3A_162 = tpu.memref_slice %arg4[%mul3A_2, %dma_start3A] : memref<128x16xf32, #tpu.memory_space<hbm>> -> memref<4x16xf32, #tpu.memory_space<hbm>>
      %dma_start3A_163 = arith.constant 0 : i32
      %dma_start3A_164 = tpu.memref_slice %arg4[%mul3A_2, %dma_start3A_163] : memref<128x16xf32, #tpu.memory_space<hbm>> -> memref<4x16xf32, #tpu.memory_space<hbm>>
      tpu.enqueue_dma source(%dma_start3A_164 : memref<4x16xf32, #tpu.memory_space<hbm>>) target(%arg7 : memref<4x16xf32, #tpu.memory_space<vmem>>) target_semaphore(%run_scoped3A : memref<!tpu.dma_semaphore, #tpu.memory_space<semaphore_mem>>)
      %dma_wait3A = arith.constant 0 : i32
      %dma_wait3A_165 = tpu.memref_slice %arg4[%mul3A_2, %dma_wait3A] : memref<128x16xf32, #tpu.memory_space<hbm>> -> memref<4x16xf32, #tpu.memory_space<hbm>>
      %dma_wait3A_166 = arith.constant 0 : i32
      %dma_wait3A_167 = tpu.memref_slice %arg4[%mul3A_2, %dma_wait3A_166] : memref<128x16xf32, #tpu.memory_space<hbm>> -> memref<4x16xf32, #tpu.memory_space<hbm>>
      tpu.wait_dma2 semaphore(%run_scoped3A : memref<!tpu.dma_semaphore, #tpu.memory_space<semaphore_mem>>) src(%dma_wait3A_167 : memref<4x16xf32, #tpu.memory_space<hbm>>) dst(%arg7 : memref<4x16xf32, #tpu.memory_space<vmem>>)
      tpu.yield
    }) : () -> ()
    "tpu.region"() ({
      %run_scoped3A = tpu.sem_alloc : memref<!tpu.dma_semaphore, #tpu.memory_space<semaphore_mem>>
      tpu.enqueue_dma source(%arg3 : memref<1x16xf32, #tpu.memory_space<hbm>>) target(%arg8 : memref<1x16xf32, #tpu.memory_space<vmem>>) target_semaphore(%run_scoped3A : memref<!tpu.dma_semaphore, #tpu.memory_space<semaphore_mem>>)
      tpu.wait_dma2 semaphore(%run_scoped3A : memref<!tpu.dma_semaphore, #tpu.memory_space<semaphore_mem>>) src(%arg3 : memref<1x16xf32, #tpu.memory_space<hbm>>) dst(%arg8 : memref<1x16xf32, #tpu.memory_space<vmem>>)
      tpu.yield
    }) : () -> ()
    %get3A = arith.constant 0 : i32
    %get3A_3 = arith.index_cast %get3A : i32 to index
    %get3A_4 = arith.constant 0 : index
    %get3A_5 = tpu.vector_load %arg8[%get3A_3, %get3A_4] {strides = array<i32>} : memref<1x16xf32, #tpu.memory_space<vmem>>, vector<1x16xf32>,
    %get3A_6 = vector.shape_cast %get3A_5 : vector<1x16xf32> to vector<16xf32>
    %get3A_7 = arith.constant 0 : i32
    %get3A_8 = arith.index_cast %get3A_7 : i32 to index
    %get3A_9 = arith.constant 0 : index
    %get3A_10 = tpu.vector_load %arg6[%get3A_8, %get3A_9] {strides = array<i32>} : memref<4x4096xf32, #tpu.memory_space<vmem>>, vector<1x16xf32>,
    %get3A_11 = vector.shape_cast %get3A_10 : vector<1x16xf32> to vector<16xf32>
    %mul3A_12 = arith.constant 2.000000e+00 : f32
    %mul3A_13 = vector.broadcast %mul3A_12 : f32 to vector<16xf32>
    %mul3A_14 = arith.mulf %mul3A_13, %get3A_11 : vector<16xf32>
    %sub3A = arith.constant 1.000000e+00 : f32
    %sub3A_15 = vector.broadcast %sub3A : f32 to vector<16xf32>
    %sub3A_16 = arith.subf %sub3A_15, %mul3A_14 : vector<16xf32>
    %neg3A = arith.constant 0.000000e+00 : f32
    %neg3A_17 = vector.broadcast %neg3A : f32 to vector<16xf32>
    %neg3A_18 = arith.subf %neg3A_17, %sub3A_16 : vector<16xf32>
    %mul3A_19 = arith.mulf %neg3A_18, %get3A_6 : vector<16xf32>
    %exp3A = math.exp %mul3A_19 : vector<16xf32>
    %add3A_20 = arith.constant 1.000000e+00 : f32
    %add3A_21 = vector.broadcast %add3A_20 : f32 to vector<16xf32>
    %add3A_22 = arith.addf %add3A_21, %exp3A : vector<16xf32>
    %div3A = arith.constant 1.000000e+00 : f32
    %div3A_23 = vector.broadcast %div3A : f32 to vector<16xf32>
    %div3A_24 = arith.divf %div3A_23, %add3A_22 : vector<16xf32>
    %get3A_25 = arith.constant 0 : i32
    %get3A_26 = arith.index_cast %get3A_25 : i32 to index
    %get3A_27 = arith.constant 0 : index
    %get3A_28 = tpu.vector_load %arg7[%get3A_26, %get3A_27] {strides = array<i32>} : memref<4x16xf32, #tpu.memory_space<vmem>>, vector<1x16xf32>,
    %get3A_29 = vector.shape_cast %get3A_28 : vector<1x16xf32> to vector<16xf32>
    %lt3A = arith.cmpf olt, %get3A_29, %div3A_24 : vector<16xf32>
    %jit3A = arith.constant 1.000000e+00 : f32
    %jit3A_30 = arith.constant 0.000000e+00 : f32
    %broadcast_in_dim3A = vector.broadcast %jit3A : f32 to vector<16xf32>
    %broadcast_in_dim3A_31 = vector.broadcast %jit3A_30 : f32 to vector<16xf32>
    %select_n3A = arith.select %lt3A, %broadcast_in_dim3A, %broadcast_in_dim3A_31 : vector<16xi1>, vector<16xf32>
    %mul3A_32 = arith.mulf %select_n3A, %sub3A_16 : vector<16xf32>
    %add3A_33 = arith.addf %get3A_11, %mul3A_32 : vector<16xf32>
    %swap3A = arith.constant 0 : i32
    %swap3A_34 = arith.index_cast %swap3A : i32 to index
    %swap3A_35 = arith.constant 0 : index
    %swap3A_36 = tpu.vector_load %arg6[%swap3A_34, %swap3A_35] {strides = array<i32>} : memref<4x4096xf32, #tpu.memory_space<vmem>>, vector<1x16xf32>,
    %swap3A_37 = vector.shape_cast %swap3A_36 : vector<1x16xf32> to vector<16xf32>
    %swap3A_38 = vector.shape_cast %add3A_33 : vector<16xf32> to vector<1x16xf32>
    tpu.vector_store %arg6[%swap3A_34, %swap3A_35], %swap3A_38 {strides = array<i32>} : memref<4x4096xf32, #tpu.memory_space<vmem>>, vector<1x16xf32>,
    %get3A_39 = arith.constant 1 : i32
    %get3A_40 = arith.index_cast %get3A_39 : i32 to index
    %get3A_41 = arith.constant 0 : index
    %get3A_42 = tpu.vector_load %arg6[%get3A_40, %get3A_41] {strides = array<i32>} : memref<4x4096xf32, #tpu.memory_space<vmem>>, vector<1x16xf32>,
    %get3A_43 = vector.shape_cast %get3A_42 : vector<1x16xf32> to vector<16xf32>
    %mul3A_44 = arith.constant 2.000000e+00 : f32
    %mul3A_45 = vector.broadcast %mul3A_44 : f32 to vector<16xf32>
    %mul3A_46 = arith.mulf %mul3A_45, %get3A_43 : vector<16xf32>
    %sub3A_47 = arith.constant 1.000000e+00 : f32
    %sub3A_48 = vector.broadcast %sub3A_47 : f32 to vector<16xf32>
    %sub3A_49 = arith.subf %sub3A_48, %mul3A_46 : vector<16xf32>
    %neg3A_50 = arith.constant 0.000000e+00 : f32
    %neg3A_51 = vector.broadcast %neg3A_50 : f32 to vector<16xf32>
    %neg3A_52 = arith.subf %neg3A_51, %sub3A_49 : vector<16xf32>
    %mul3A_53 = arith.mulf %neg3A_52, %get3A_6 : vector<16xf32>
    %exp3A_54 = math.exp %mul3A_53 : vector<16xf32>
    %add3A_55 = arith.constant 1.000000e+00 : f32
    %add3A_56 = vector.broadcast %add3A_55 : f32 to vector<16xf32>
    %add3A_57 = arith.addf %add3A_56, %exp3A_54 : vector<16xf32>
    %div3A_58 = arith.constant 1.000000e+00 : f32
    %div3A_59 = vector.broadcast %div3A_58 : f32 to vector<16xf32>
    %div3A_60 = arith.divf %div3A_59, %add3A_57 : vector<16xf32>
    %get3A_61 = arith.constant 1 : i32
    %get3A_62 = arith.index_cast %get3A_61 : i32 to index
    %get3A_63 = arith.constant 0 : index
    %get3A_64 = tpu.vector_load %arg7[%get3A_62, %get3A_63] {strides = array<i32>} : memref<4x16xf32, #tpu.memory_space<vmem>>, vector<1x16xf32>,
    %get3A_65 = vector.shape_cast %get3A_64 : vector<1x16xf32> to vector<16xf32>
    %lt3A_66 = arith.cmpf olt, %get3A_65, %div3A_60 : vector<16xf32>
    %jit3A_67 = arith.constant 1.000000e+00 : f32
    %jit3A_68 = arith.constant 0.000000e+00 : f32
    %broadcast_in_dim3A_69 = vector.broadcast %jit3A_67 : f32 to vector<16xf32>
    %broadcast_in_dim3A_70 = vector.broadcast %jit3A_68 : f32 to vector<16xf32>
    %select_n3A_71 = arith.select %lt3A_66, %broadcast_in_dim3A_69, %broadcast_in_dim3A_70 : vector<16xi1>, vector<16xf32>
    %mul3A_72 = arith.mulf %select_n3A_71, %sub3A_49 : vector<16xf32>
    %add3A_73 = arith.addf %get3A_43, %mul3A_72 : vector<16xf32>
    %swap3A_74 = arith.constant 1 : i32
    %swap3A_75 = arith.index_cast %swap3A_74 : i32 to index
    %swap3A_76 = arith.constant 0 : index
    %swap3A_77 = tpu.vector_load %arg6[%swap3A_75, %swap3A_76] {strides = array<i32>} : memref<4x4096xf32, #tpu.memory_space<vmem>>, vector<1x16xf32>,
    %swap3A_78 = vector.shape_cast %swap3A_77 : vector<1x16xf32> to vector<16xf32>
    %swap3A_79 = vector.shape_cast %add3A_73 : vector<16xf32> to vector<1x16xf32>
    tpu.vector_store %arg6[%swap3A_75, %swap3A_76], %swap3A_79 {strides = array<i32>} : memref<4x4096xf32, #tpu.memory_space<vmem>>, vector<1x16xf32>,
    %get3A_80 = arith.constant 2 : i32
    %get3A_81 = arith.index_cast %get3A_80 : i32 to index
    %get3A_82 = arith.constant 0 : index
    %get3A_83 = tpu.vector_load %arg6[%get3A_81, %get3A_82] {strides = array<i32>} : memref<4x4096xf32, #tpu.memory_space<vmem>>, vector<1x16xf32>,
    %get3A_84 = vector.shape_cast %get3A_83 : vector<1x16xf32> to vector<16xf32>
    %mul3A_85 = arith.constant 2.000000e+00 : f32
    %mul3A_86 = vector.broadcast %mul3A_85 : f32 to vector<16xf32>
    %mul3A_87 = arith.mulf %mul3A_86, %get3A_84 : vector<16xf32>
    %sub3A_88 = arith.constant 1.000000e+00 : f32
    %sub3A_89 = vector.broadcast %sub3A_88 : f32 to vector<16xf32>
    %sub3A_90 = arith.subf %sub3A_89, %mul3A_87 : vector<16xf32>
    %neg3A_91 = arith.constant 0.000000e+00 : f32
    %neg3A_92 = vector.broadcast %neg3A_91 : f32 to vector<16xf32>
    %neg3A_93 = arith.subf %neg3A_92, %sub3A_90 : vector<16xf32>
    %mul3A_94 = arith.mulf %neg3A_93, %get3A_6 : vector<16xf32>
    %exp3A_95 = math.exp %mul3A_94 : vector<16xf32>
    %add3A_96 = arith.constant 1.000000e+00 : f32
    %add3A_97 = vector.broadcast %add3A_96 : f32 to vector<16xf32>
    %add3A_98 = arith.addf %add3A_97, %exp3A_95 : vector<16xf32>
    %div3A_99 = arith.constant 1.000000e+00 : f32
    %div3A_100 = vector.broadcast %div3A_99 : f32 to vector<16xf32>
    %div3A_101 = arith.divf %div3A_100, %add3A_98 : vector<16xf32>
    %get3A_102 = arith.constant 2 : i32
    %get3A_103 = arith.index_cast %get3A_102 : i32 to index
    %get3A_104 = arith.constant 0 : index
    %get3A_105 = tpu.vector_load %arg7[%get3A_103, %get3A_104] {strides = array<i32>} : memref<4x16xf32, #tpu.memory_space<vmem>>, vector<1x16xf32>,
    %get3A_106 = vector.shape_cast %get3A_105 : vector<1x16xf32> to vector<16xf32>
    %lt3A_107 = arith.cmpf olt, %get3A_106, %div3A_101 : vector<16xf32>
    %jit3A_108 = arith.constant 1.000000e+00 : f32
    %jit3A_109 = arith.constant 0.000000e+00 : f32
    %broadcast_in_dim3A_110 = vector.broadcast %jit3A_108 : f32 to vector<16xf32>
    %broadcast_in_dim3A_111 = vector.broadcast %jit3A_109 : f32 to vector<16xf32>
    %select_n3A_112 = arith.select %lt3A_107, %broadcast_in_dim3A_110, %broadcast_in_dim3A_111 : vector<16xi1>, vector<16xf32>
    %mul3A_113 = arith.mulf %select_n3A_112, %sub3A_90 : vector<16xf32>
    %add3A_114 = arith.addf %get3A_84, %mul3A_113 : vector<16xf32>
    %swap3A_115 = arith.constant 2 : i32
    %swap3A_116 = arith.index_cast %swap3A_115 : i32 to index
    %swap3A_117 = arith.constant 0 : index
    %swap3A_118 = tpu.vector_load %arg6[%swap3A_116, %swap3A_117] {strides = array<i32>} : memref<4x4096xf32, #tpu.memory_space<vmem>>, vector<1x16xf32>,
    %swap3A_119 = vector.shape_cast %swap3A_118 : vector<1x16xf32> to vector<16xf32>
    %swap3A_120 = vector.shape_cast %add3A_114 : vector<16xf32> to vector<1x16xf32>
    tpu.vector_store %arg6[%swap3A_116, %swap3A_117], %swap3A_120 {strides = array<i32>} : memref<4x4096xf32, #tpu.memory_space<vmem>>, vector<1x16xf32>,
    %get3A_121 = arith.constant 3 : i32
    %get3A_122 = arith.index_cast %get3A_121 : i32 to index
    %get3A_123 = arith.constant 0 : index
    %get3A_124 = tpu.vector_load %arg6[%get3A_122, %get3A_123] {strides = array<i32>} : memref<4x4096xf32, #tpu.memory_space<vmem>>, vector<1x16xf32>,
    %get3A_125 = vector.shape_cast %get3A_124 : vector<1x16xf32> to vector<16xf32>
    %mul3A_126 = arith.constant 2.000000e+00 : f32
    %mul3A_127 = vector.broadcast %mul3A_126 : f32 to vector<16xf32>
    %mul3A_128 = arith.mulf %mul3A_127, %get3A_125 : vector<16xf32>
    %sub3A_129 = arith.constant 1.000000e+00 : f32
    %sub3A_130 = vector.broadcast %sub3A_129 : f32 to vector<16xf32>
    %sub3A_131 = arith.subf %sub3A_130, %mul3A_128 : vector<16xf32>
    %neg3A_132 = arith.constant 0.000000e+00 : f32
    %neg3A_133 = vector.broadcast %neg3A_132 : f32 to vector<16xf32>
    %neg3A_134 = arith.subf %neg3A_133, %sub3A_131 : vector<16xf32>
    %mul3A_135 = arith.mulf %neg3A_134, %get3A_6 : vector<16xf32>
    %exp3A_136 = math.exp %mul3A_135 : vector<16xf32>
    %add3A_137 = arith.constant 1.000000e+00 : f32
    %add3A_138 = vector.broadcast %add3A_137 : f32 to vector<16xf32>
    %add3A_139 = arith.addf %add3A_138, %exp3A_136 : vector<16xf32>
    %div3A_140 = arith.constant 1.000000e+00 : f32
    %div3A_141 = vector.broadcast %div3A_140 : f32 to vector<16xf32>
    %div3A_142 = arith.divf %div3A_141, %add3A_139 : vector<16xf32>
    %get3A_143 = arith.constant 3 : i32
    %get3A_144 = arith.index_cast %get3A_143 : i32 to index
    %get3A_145 = arith.constant 0 : index
    %get3A_146 = tpu.vector_load %arg7[%get3A_144, %get3A_145] {strides = array<i32>} : memref<4x16xf32, #tpu.memory_space<vmem>>, vector<1x16xf32>,
    %get3A_147 = vector.shape_cast %get3A_146 : vector<1x16xf32> to vector<16xf32>
    %lt3A_148 = arith.cmpf olt, %get3A_147, %div3A_142 : vector<16xf32>
    %jit3A_149 = arith.constant 1.000000e+00 : f32
    %jit3A_150 = arith.constant 0.000000e+00 : f32
    %broadcast_in_dim3A_151 = vector.broadcast %jit3A_149 : f32 to vector<16xf32>
    %broadcast_in_dim3A_152 = vector.broadcast %jit3A_150 : f32 to vector<16xf32>
    %select_n3A_153 = arith.select %lt3A_148, %broadcast_in_dim3A_151, %broadcast_in_dim3A_152 : vector<16xi1>, vector<16xf32>
    %mul3A_154 = arith.mulf %select_n3A_153, %sub3A_131 : vector<16xf32>
    %add3A_155 = arith.addf %get3A_125, %mul3A_154 : vector<16xf32>
    %swap3A_156 = arith.constant 3 : i32
    %swap3A_157 = arith.index_cast %swap3A_156 : i32 to index
    %swap3A_158 = arith.constant 0 : index
    %swap3A_159 = tpu.vector_load %arg6[%swap3A_157, %swap3A_158] {strides = array<i32>} : memref<4x4096xf32, #tpu.memory_space<vmem>>, vector<1x16xf32>,
    %swap3A_160 = vector.shape_cast %swap3A_159 : vector<1x16xf32> to vector<16xf32>
    %swap3A_161 = vector.shape_cast %add3A_155 : vector<16xf32> to vector<1x16xf32>
    tpu.vector_store %arg6[%swap3A_157, %swap3A_158], %swap3A_161 {strides = array<i32>} : memref<4x4096xf32, #tpu.memory_space<vmem>>, vector<1x16xf32>,
    "tpu.region"() ({
      %run_scoped3A = tpu.sem_alloc : memref<!tpu.dma_semaphore, #tpu.memory_space<semaphore_mem>>
      %dma_start3A = arith.constant 0 : i32
      %dma_start3A_162 = tpu.memref_slice %arg5[%mul3A_2, %dma_start3A] : memref<128x4096xf32, #tpu.memory_space<hbm>> -> memref<4x4096xf32, #tpu.memory_space<hbm>>
      %dma_start3A_163 = arith.constant 0 : i32
      %dma_start3A_164 = tpu.memref_slice %arg5[%mul3A_2, %dma_start3A_163] : memref<128x4096xf32, #tpu.memory_space<hbm>> -> memref<4x4096xf32, #tpu.memory_space<hbm>>
      tpu.enqueue_dma source(%arg6 : memref<4x4096xf32, #tpu.memory_space<vmem>>) target(%dma_start3A_164 : memref<4x4096xf32, #tpu.memory_space<hbm>>) target_semaphore(%run_scoped3A : memref<!tpu.dma_semaphore, #tpu.memory_space<semaphore_mem>>)
      %dma_wait3A = arith.constant 0 : i32
      %dma_wait3A_165 = tpu.memref_slice %arg5[%mul3A_2, %dma_wait3A] : memref<128x4096xf32, #tpu.memory_space<hbm>> -> memref<4x4096xf32, #tpu.memory_space<hbm>>
      %dma_wait3A_166 = arith.constant 0 : i32
      %dma_wait3A_167 = tpu.memref_slice %arg5[%mul3A_2, %dma_wait3A_166] : memref<128x4096xf32, #tpu.memory_space<hbm>> -> memref<4x4096xf32, #tpu.memory_space<hbm>>
      tpu.wait_dma2 semaphore(%run_scoped3A : memref<!tpu.dma_semaphore, #tpu.memory_space<semaphore_mem>>) src(%arg6 : memref<4x4096xf32, #tpu.memory_space<vmem>>) dst(%dma_wait3A_167 : memref<4x4096xf32, #tpu.memory_space<hbm>>)
      tpu.yield
    }) : () -> ()
    return
  }
}

</mosaic_0001>

<sc_bundles>
// kernel: kernel.3.cloned.1.call-start
scs
__scs_entry_jumppad:
0x0: {  	(pc) =	sbr.rel $0x88, $3  }
0x1: {  	(tag) =	ssettag $0x0;
	lr =	simm.s32 $0x1  }
0x2: {  	[smem:$0x3F9F] =	sst lr;
	_ =	strace $0xD0000000  }
0x3: {  	_ = 	snop  }
0x4: {  	_ = 	snop  }
0x5: {  	_ = 	snop  }
0x6: {  	_ = 	snop  }
0x7: {  	_ = 	snop  }
__scs_overlays_trampoline_lowered:
0x8: {  	[smem:$0x3FAE] =	sst s0  }
0x9: {  	[smem:$0x3FAF] =	sst s1  }
0xa: {  	[smem:$0x3FB0] =	sst s2  }
0xb: {  	[smem:$0x3FB1] =	sst s3  }
0xc: {  	[smem:$0x3FB2] =	sst s4  }
0xd: {  	[smem:$0x3FB3] =	sst s5  }
0xe: {  	[smem:$0x3FB4] =	sst s6  }
0xf: {  	[smem:$0x3FB5] =	sst s7  }
0x10: {  	[smem:$0x3FB6] =	sst s8  }
0x11: {  	[smem:$0x3FB7] =	sst s9;
	s0 =	simm.s32 @!p0 $0x0  }
0x12: {  	s1 =	sld [smem:$0x3F9D];
	s0 =	simm.s32 @p0 $0x1  }
0x13: {  	[smem:$0x3FB8] =	sst s0;
	s0 =	simm.s32 @!p1 $0x0  }
0x14: {  	s2 =	sld [smem:$0x3F9C];
	s0 =	simm.s32 @p1 $0x1  }
0x15: {  	[smem:$0x3FB9] =	sst s0;
	s0 =	simm.s32 @!p2 $0x0  }
0x16: {  	s3 =	sld [smem:$0x3FDB];
	s0 =	simm.s32 @p2 $0x1  }
0x17: {  	s4 =	simm.s32 $0x1BF5;
	[smem:$0x3FBB] =	sst s0  }
0x18: {  	s0 =	sld [smem:$0x3F9E];
	_ =	swait.ge [sflag:s4], $0x0  }
0x19: {  	s7 =	sld [smem:$0x3F9F]  }
0x1a: {  	s8 =	sadd.s32 $0xFFFFE003, lr  }
0x1b: {  	s9 =	sadd.s32 $0xFFFFFEF7, lr;
	s5 =	simm.s32 $0xFFFFFFFF;
	p2 =	slt.u32 s8, $0xFFFFF086  }
0x1c: {  	p1 =	slt.u32 s9, $0xF7A;
	s5 =	simm.s32 @!p2 $0x0  }
0x1d: {  	s5 =	simm.s32 @p1 $0x1;
	p0 =	seq.s32 s7, s2  }
0x1e: {  	s7 =	smul.u32 @!p0 $0xF7A, s2;
	p2 =	seq.s32 @!p0 s5, $0x0  }
0x1f: {  	s9 =	smul.u32 $0xF7A, s1;
	s8 =	simm.s32 @!p0 $0x1BF5;
	p2 =	por !p2, p0  }
0x20: {  	[sflag:s8] =	ssyncset.s32 @!p0 $0xFFFFF086;
	s6 =	sadd.s32 @!p0 s3, s7;
	s7 =	simm.s32 @!p0 $0x108  }
0x21: {  	s3 =	sadd.s32 s3, s9;
	s6 =	sadd.s32 @!p0 $0x88, s6;
	s7 =	simm.s32 @p2 $0x1082  }
0x22: {  	[simem:s7], [sflag:s8] =	dma.local @!p0 [hbm:s6], $0xF7A  }
0x23: {  	s9 =	sor.u32 $0xD0000000, s2;
	s6 =	simm.s32 $0x108;
	_ =	swait.ge @!p0 [sflag:s8], $0x0  }
0x24: {  	s3 =	sadd.s32 $0x88, s3;
	s6 =	simm.s32 @!p1 $0x1082;
	[sflag:s4] =	ssyncset.s32 $0xFFFFF086  }
0x25: {  	[simem:s6], [sflag:s4] =	dma.local [hbm:s3], $0xF7A  }
0x26: {  	[smem:$0x3F9F] =	sst s1;
	(tag) =	ssettag s2;
	_ =	strace s9  }
0x27: {  	s1 =	sld [smem:$0x3FAF]  }
0x28: {  	s2 =	sld [smem:$0x3FB0]  }
0x29: {  	s4 =	sld [smem:$0x3FB2]  }
0x2a: {  	p0 =	seq.s32 s5, $0x0;
	s5 =	sld [smem:$0x3FB3]  }
0x2b: {  	s6 =	sld [smem:$0x3FB4]  }
0x2c: {  	s7 =	sld [smem:$0x3FB5]  }
0x2d: {  	s3 =	simm.s32 $0x108;
	s8 =	sld [smem:$0x3FB6]  }
0x2e: {  	s3 =	simm.s32 @!p0 $0x1082;
	s9 =	sld [smem:$0x3FB7]  }
0x2f: {  	lr =	sadd.s32 s0, s3;
	s0 =	sld [smem:$0x3FAE]  }
0x30: {  	s3 =	sld [smem:$0x3FB1]  }
0x31: {  	[smem:$0x3FBA] =	sst s10  }
0x32: {  	s10 =	sld [smem:$0x3FB8];
	_ =	sdelay $0x3  }
0x33: {  	p0 =	seq.s32 s10, $0x1;
	s10 =	sld [smem:$0x3FBA];
	_ =	sdelay $0x3  }
0x34: {  	[smem:$0x3FBA] =	sst s10  }
0x35: {  	s10 =	sld [smem:$0x3FB9];
	_ =	sdelay $0x3  }
0x36: {  	p1 =	seq.s32 s10, $0x1;
	s10 =	sld [smem:$0x3FBA];
	_ =	sdelay $0x3  }
0x37: {  	[smem:$0x3FBA] =	sst s10  }
0x38: {  	s10 =	sld [smem:$0x3FBB]  }
0x39: {  	_ = 	snop;
	(pc) =	sbr.ind lr, $3  }
0x3a: {  	_ = 	snop  }
0x3b: {  	_ = 	snop  }
0x3c: {  	p2 =	seq.s32 s10, $0x1;
	s10 =	sld [smem:$0x3FBA]  }
0x3d: {  	_ =	shalt  }
0x3e: {  	_ =	shalt  }
0x3f: {  	_ =	shalt  }
0x40: {  	_ =	shalt  }
0x41: {  	_ =	shalt  }
0x42: {  	_ =	shalt  }
0x43: {  	_ =	shalt  }
0x44: {  	_ =	shalt  }
0x45: {  	_ =	shalt  }
0x46: {  	_ =	shalt  }
0x47: {  	_ =	shalt  }
0x48: {  	_ =	shalt  }
0x49: {  	_ =	shalt  }
0x4a: {  	_ =	shalt  }
0x4b: {  	_ =	shalt  }
0x4c: {  	_ =	shalt  }
0x4d: {  	_ =	shalt  }
0x4e: {  	_ =	shalt  }
0x4f: {  	_ =	shalt  }
0x50: {  	_ =	shalt  }
0x51: {  	_ =	shalt  }
0x52: {  	_ =	shalt  }
0x53: {  	_ =	shalt  }
0x54: {  	_ =	shalt  }
0x55: {  	_ =	shalt  }
0x56: {  	_ =	shalt  }
0x57: {  	_ =	shalt  }
0x58: {  	_ =	shalt  }
0x59: {  	_ =	shalt  }
0x5a: {  	_ =	shalt  }
0x5b: {  	_ =	shalt  }
0x5c: {  	_ =	shalt  }
0x5d: {  	_ =	shalt  }
0x5e: {  	_ =	shalt  }
0x5f: {  	_ =	shalt  }
0x60: {  	_ =	shalt  }
0x61: {  	_ =	shalt  }
0x62: {  	_ =	shalt  }
0x63: {  	_ =	shalt  }
0x64: {  	_ =	shalt  }
0x65: {  	_ =	shalt  }
0x66: {  	_ =	shalt  }
0x67: {  	_ =	shalt  }
0x68: {  	_ =	shalt  }
0x69: {  	_ =	shalt  }
0x6a: {  	_ =	shalt  }
0x6b: {  	_ =	shalt  }
0x6c: {  	_ =	shalt  }
0x6d: {  	_ =	shalt  }
0x6e: {  	_ =	shalt  }
0x6f: {  	_ =	shalt  }
0x70: {  	_ =	shalt  }
0x71: {  	_ =	shalt  }
0x72: {  	_ =	shalt  }
0x73: {  	_ =	shalt  }
0x74: {  	_ =	shalt  }
0x75: {  	_ =	shalt  }
0x76: {  	_ =	shalt  }
0x77: {  	_ =	shalt  }
0x78: {  	_ =	shalt  }
0x79: {  	_ =	shalt  }
0x7a: {  	_ =	shalt  }
0x7b: {  	_ =	shalt  }
0x7c: {  	_ =	shalt  }
0x7d: {  	_ =	shalt  }
0x7e: {  	_ =	shalt  }
0x7f: {  	_ =	shalt  }
0x80: {  	_ =	shalt  }
0x81: {  	_ =	shalt  }
0x82: {  	_ =	shalt  }
0x83: {  	_ =	shalt  }
0x84: {  	_ =	shalt  }
0x85: {  	_ =	shalt  }
0x86: {  	_ =	shalt  }
0x87: {  	_ =	shalt  }
.Lfunc_end0:
.L_simem_size_0:
called_computation_lowered:
.L_overlay_start_0:
0x88: {  	s2 =	sld [smem:$0x3FD9]  }
0x89: {  	s3 =	sld [smem:$0x3FFE];
	_ =	sdelay $0x1  }
0x8a: {  	s1 =	srdreg.scid  }
0x8b: {  	s0 =	sand.u32 $0x1, s1  }
0x8c: {  	s17 =	sshll.u32 s0, $0xA;
	s2 =	sadd.s32 s3, s2  }
0x8d: {  	s2 =	sadd.s32 s2, s17  }
0x8e: {  	[smem:$0x3FC6] =	sst s2  }
0x8f: {  	_ = 	snop  }
0x90: {  	s2 =	sld [smem:$0x3FC9]  }
0x91: {  	s18 =	sld [smem:$0x3FD0];
	(tm) =	ssettm $0x1  }
0x92: {  	s4 =	sld [smem:$0x3FFB];
	_ =	sdelay $0x3  }
0x93: {  	_ =	strace s4  }
0x94: {  	s4 =	sld [smem:$0x3FFC];
	_ =	sdelay $0x3  }
0x95: {  	_ =	strace s4  }
0x96: {  	s4 =	sld [smem:$0x3FFD];
	_ =	sdelay $0x3  }
0x97: {  	_ =	strace s4  }
0x98: {  	_ =	strace $0x8FFFFFFF  }
0x99: {  	s19 =	sld [smem:$0x3FDB];
	_ =	sdelay $0x1  }
0x9a: {  	s5 =	simm.s32 $_scs_section_size  }
0x9b: {  	s6 =	simm.s32 $_size__tile_overlayer_lowered;
	s7 =	simm.s32 $_tile_overlayer_lowered  }
0x9c: {  	s22 =	simm.s32 $0x1BFF;
	s21 =	sshll.u32 s7, $0x1;
	s4 =	sadd.s32 s5, s19  }
0x9d: {  	s8 =	simm.s32 $0x0;
	s20 =	sshll.u32 s6, $0x1;
	s6 =	sadd.s32 s21, s4  }
0x9e: {  	[timem:s8], [sflag:s22] =	dma.local [hbm:s6], s20  }
0x9f: {  	_ =	swait.ge [sflag:s22], s20  }
0xa0: {  	s5 =	ssub.s32 $0x0, s20;
	[sflag:s22] =	ssyncset.done $0x0  }
0xa1: {  	[sflag:s22] =	ssyncadd.s32 s5;
	_ =	sdelay $0x1  }
0xa2: {  	s23 =	simm.s32 $0x1B8B  }
0xa3: {  	_ =	swait.ge [sflag:s23], $0x1  }
0xa4: {  	[sflag:s23] =	ssyncset.done $0x0  }
0xa5: {  	s25 =	simm.s32 $0x1B8E;
	s24 =	sld [smem:$0x3FFE];
	[sflag:s23] =	ssyncadd.s32 $0xFFFFFFFF  }
0xa6: {  	s26 =	simm.s32 $execute0_lowered;
	[smem:$0x3FD2] =	sst s25  }
0xa7: {  	s6 =	sshll.u32 s26, $0x1;
	_ =	strace $0x80000046;
	[dreg:$0x1] =	wrdreg $0xFFFFFFFF  }
0xa8: {  	s28 =	simm.s32 $_size_execute0_lowered;
	s4 =	sadd.s32 s4, s6;
	[dreg:$0x0] =	wrdreg $0x0  }
0xa9: {  	s6 =	sshll.u32 s28, $0x1;
	[dreg:$0x2] =	wrdreg s4  }
0xaa: {  	[dreg:$0x3] =	wrdreg s6  }
0xab: {  	[dreg:$0x4] =	wrdreg $0xC0  }
0xac: {  	_ =	task [dreg:s8], $0x5FFFF  }
0xad: {  	[dreg:$0x1] =	wrdreg $0xFFFFFFFF  }
0xae: {  	[dreg:$0x0] =	wrdreg $0x60  }
0xaf: {  	[dreg:$0x2] =	wrdreg s2  }
0xb0: {  	[dreg:$0x3] =	wrdreg s24  }
0xb1: {  	[dreg:$0x4] =	wrdreg s18  }
0xb2: {  	[dreg:$0x5] =	wrdreg $0x9  }
0xb3: {  	_ =	task.clear_ibuf [dreg:s8], $0x6FFFF;
	_ =	strace $0x90000046  }
0xb4: {  	s29 =	simm.s32 $0x9;
	_ =	strace $0x80000048  }
0xb5: {  	_ =	swait.ge [sflag:s29], $0x1  }
0xb6: {  	[sflag:s29] =	ssyncadd.s32 $0xFFFFFFFF  }
0xb7: {  	_ =	strace $0x90000048  }
0xb8: {  	_ =	sfence  }
0xb9: {  	s30 =	sld [smem:$0x0];
	_ =	sdelay $0x2  }
0xba: {  	s31 =	sshll.u32 s1, $0xD;
	s1 =	sshrl.u32 s1, $0x2  }
0xbb: {  	s3 =	sand.u32 $0x4000, s31;
	s1 =	sadd.s32 s1, s30  }
0xbc: {  	s0 =	sor.u32 s3, s0;
	s1 =	sshll.u32 s1, $0x11  }
0xbd: {  	s0 =	sor.u32 s1, s0  }
0xbe: {  	s0 =	sadd.s32 $0x8F2B, s0  }
0xbf: {  	[sflag:s0] =	ssyncadd.remote.s32 $0x1  }
0xc0: {  	_ =	sfence.sel $0xFFFF  }
0xc1: {  	[dreg:$0x0] =	wrdreg $0xFFFFFFFF;
	(pc) =	sbr.abs _section_cstart, $3  }
0xc2: {  	[dreg:$0x1] =	wrdreg $0xFFFFFFFF  }
0xc3: {  	_ =	task.clear_ibuf [dreg:s8], $0x2FFFF;
	_ =	strace $0x9FFFFFFF  }
0xc4: {  	(tm) =	ssettm $0x7FFFFFFF  }
0xc5: {  	_ =	shalt  }
tec
execute0_lowered:
.L_overlay_start_1:
0x0: {  	(tag) =	ssettag $0x1  }
0x1: {  	s3 =	rddreg [dreg:$0x0]  }
0x2: {  	s1 =	srdreg.scid;
	s9 =	rddreg [dreg:$0x1]  }
0x3: {  	s0 =	stileid.u32;
	s11 =	rddreg [dreg:$0x2]  }
0x4: {  	s2 =	simm.s32 $0x0;
	s13 =	sand.u32 $0x1, s1;
	s1 =	rddreg [dreg:$0x3]  }
0x5: {  	s5 =	sshll.u32 s0, $0xF;
	[smem:$0x7FF] =	sst s2;
	s4 =	sshll.u32 s13, $0x9  }
0x6: {  	s6 =	sshll.u32 s0, $0xA;
	_ =	strace $0x80000047;
	s5 =	sor.u32 s4, s5  }
0x7: {  	s7 =	sor.u32 s4, s6;
	s4 =	simm.s32 $0x200;
	s12 =	sshrl.u32 s5, $0x3  }
0x8: {  	s6 =	simm.s32 $0x400;
	s5 =	sadd.s32 s3, s12;
	s3 =	simm.s32 $0x1  }
0x9: {  	[tilespmem:s2], [sflag:$0x1] =	stream.strided.gather [hbm4b:s5+s4], $0x4000, s6, s4, $0x38;
	[tilespmem:$0x4280] =	vst v63  }
0xa: {  	s7 =	sshrl.u32 s7, $0x3;
	_ =	swait.ge [sflag:s3], $0x4000  }
0xb: {  	s7 =	sadd.s32 s7, s9;
	[sflag:s3] =	ssyncset.done $0x0  }
0xc: {  	s8 =	simm.s32 $0x4000;
	s7 =	sadd.s32 $0x600, s7;
	[sflag:s3] =	ssyncadd.s32 $0xFFFFC000  }
0xd: {  	[tilespmem:s8], [sflag:$0x1] =	stream.linear.gather [hbm4b:s7+s2], $0x200, $0x38;
	[tilespmem:$0x4280] =	vst v63  }
0xe: {  	_ =	swait.ge [sflag:s3], $0x200  }
0xf: {  	[sflag:s3] =	ssyncset.done $0x0  }
0x10: {  	s10 =	simm.s32 $0x4200;
	s9 =	sadd.s32 $0x400, s9;
	[sflag:s3] =	ssyncadd.s32 $0xFFFFFE00  }
0x11: {  	[tilespmem:s10], [sflag:$0x1] =	stream.linear.gather [hbm4b:s9+s2], $0x80, $0x38;
	[tilespmem:$0x4280] =	vst v63  }
0x12: {  	_ =	swait.ge [sflag:s3], $0x80  }
0x13: {  	[sflag:s3] =	ssyncset.done $0x0  }
0x14: {  	[sflag:s3] =	ssyncadd.s32 $0xFFFFFF80  }
0x15: {  	v1 =	vld [tilespmem:$0x180]  }
0x16: {  	v2 =	vld [tilespmem:$0x100]  }
0x17: {  	v3 =	vld [tilespmem:$0x80]  }
0x18: {  	v4 =	vld [tilespmem:$0x0];
	_ =	sdelay $0x1  }
0x19: {  	v0 =	vadd.f32 v1, v1  }
0x1a: {  	v5 =	vld [tilespmem:$0x4200];
	v6 =	vadd.f32 v2, v2  }
0x1b: {  	v7 =	vadd.f32 v3, v3;
	v8 =	vsub.f32 $1.000000000e+00, v0  }
0x1c: {  	v0 =	vadd.f32 v4, v4;
	v6 =	vsub.f32 $1.000000000e+00, v6  }
0x1d: {  	v7 =	vsub.f32 $1.000000000e+00, v7;
	v9 =	vsub.f32 $0.0e+00, v8  }
0x1e: {  	v10 =	vsub.f32 $1.000000000e+00, v0;
	v0 =	vsub.f32 $0.0e+00, v6  }
0x1f: {  	v11 =	vsub.f32 $0.0e+00, v7;
	v9 =	vmul.f32 v9, v5  }
0x20: {  	v12 =	vsub.f32 $0.0e+00, v10;
	v0 =	vmul.f32 v0, v5  }
0x21: {  	v11 =	vmul.f32 v11, v5;
	v9 =	vmul.f32 $1.442695020e+00, v9  }
0x22: {  	v5 =	vmul.f32 v12, v5;
	v0 =	vmul.f32 $1.442695020e+00, v0  }
0x23: {  	v11 =	vmul.f32 $1.442695020e+00, v11;
	(erf) = vpow2.f32 v9  }
0x24: {  	v5 =	vmul.f32 $1.442695020e+00, v5;
	(erf) = vpow2.f32 v0  }
0x25: {  	(erf) = vpow2.f32 v11  }
0x26: {  	(erf) = vpow2.f32 v5;
	_ =	sdelay $0x5  }
0x27: {  	v0 =	vpop (erf)  }
0x28: {  	v0 =	vadd.f32 $1.000000000e+00, v0;
	v49 =	vpop (erf)  }
0x29: {  	v5 =	vadd.f32 $1.000000000e+00, v49;
	v50 =	vpop (erf)  }
0x2a: {  	v9 =	vadd.f32 $1.000000000e+00, v50;
	v51 =	vpop (erf);
	(erf) = vrcp.f32 v0  }
0x2b: {  	v0 =	vadd.f32 $1.000000000e+00, v51;
	(erf) = vrcp.f32 v5  }
0x2c: {  	(erf) = vrcp.f32 v9  }
0x2d: {  	(erf) = vrcp.f32 v0;
	_ =	sdelay $0x1  }
0x2e: {  	v52 =	vld [tilespmem:$0x4180]  }
0x2f: {  	v53 =	vld [tilespmem:$0x4100]  }
0x30: {  	v54 =	vld [tilespmem:$0x4080]  }
0x31: {  	v55 =	vld [tilespmem:$0x4000]  }
0x32: {  	v13 =	vpop (erf)  }
0x33: {  	s13 =	ssub.s32 $0x2, s13;
	v0 =	vimm.f32 $0.0e+00;
	vm0 =	vlt.f32 v52, v13;
	v56 =	vpop (erf)  }
0x34: {  	s14 =	sshrl.u32 s13, $0x1;
	vm1 =	vlt.f32 v53, v56;
	v57 =	vsel vm0, $0x3F800000, v0;
	v58 =	vpop (erf)  }
0x35: {  	s13 =	ssub.s32 s13, s14;
	vm14 =	vlt.f32 v54, v58;
	v59 =	vsel vm1, $0x3F800000, v0;
	v5 =	vmul.f32 v57, v8;
	v60 =	vpop (erf)  }
0x36: {  	s13 =	smax.u32 s13, $0x1;
	vm15 =	vlt.f32 v55, v60;
	v61 =	vsel vm14, $0x3F800000, v0;
	v6 =	vmul.f32 v59, v6  }
0x37: {  	p0 =	sne.s32 s13, $0x1;
	v62 =	vsel vm15, $0x3F800000, v0;
	v7 =	vmul.f32 v61, v7;
	v1 =	vadd.f32 v5, v1  }
.Ltmp0:
0x38: {  	v63 =	vmul.f32 v62, v10;
	v2 =	vadd.f32 v6, v2;
	(pc) =	sbr.rel @!p0 .LBB2_2-.Ltmp0, $4  }
0x39: {  	v3 =	vadd.f32 v7, v3;
	[tilespmem:$0x180] =	vst v1  }
0x3a: {  	v1 =	vadd.f32 v63, v4;
	[tilespmem:$0x100] =	vst v2  }
0x3b: {  	[tilespmem:$0x80] =	vst v3  }
0x3c: {  	s11 =	sadd.s32 s11, s12;
	s12 =	sadd.s32 $0xFFFFFFFF, s13;
	[tilespmem:$0x0] =	vst v1  }
.LBB2_1:
0x3d: {  	[hbm4b:s11+s4] =	stream.strided.scatter [tilespmem:s2], [sflag:$0x1], $0x4000, s6, s4, $0x38;
	[tilespmem:$0x4280] =	vst v63  }
0x3e: {  	p0 =	sne.s32 s12, $0x1;
	s12 =	sadd.s32 $0xFFFFFFFF, s12;
	_ =	swait.ge [sflag:s3], $0x4000  }
0x3f: {  	[sflag:s3] =	ssyncset.done $0x0  }
0x40: {  	[sflag:s3] =	ssyncadd.s32 $0xFFFFC000  }
0x41: {  	[tilespmem:s2], [sflag:$0x1] =	stream.strided.gather [hbm4b:s5+s4], $0x4000, s6, s4, $0x38;
	[tilespmem:$0x4280] =	vst v63  }
0x42: {  	_ =	swait.ge [sflag:s3], $0x4000  }
0x43: {  	[sflag:s3] =	ssyncset.done $0x0  }
0x44: {  	[sflag:s3] =	ssyncadd.s32 $0xFFFFC000  }
0x45: {  	[tilespmem:s8], [sflag:$0x1] =	stream.linear.gather [hbm4b:s7+s2], $0x200, $0x38;
	[tilespmem:$0x4280] =	vst v63  }
0x46: {  	_ =	swait.ge [sflag:s3], $0x200  }
0x47: {  	[sflag:s3] =	ssyncset.done $0x0  }
0x48: {  	[sflag:s3] =	ssyncadd.s32 $0xFFFFFE00  }
0x49: {  	[tilespmem:s10], [sflag:$0x1] =	stream.linear.gather [hbm4b:s9+s2], $0x80, $0x38;
	[tilespmem:$0x4280] =	vst v63  }
0x4a: {  	_ =	swait.ge [sflag:s3], $0x80  }
0x4b: {  	[sflag:s3] =	ssyncset.done $0x0  }
0x4c: {  	[sflag:s3] =	ssyncadd.s32 $0xFFFFFF80  }
0x4d: {  	v1 =	vld [tilespmem:$0x180]  }
0x4e: {  	v2 =	vld [tilespmem:$0x100]  }
0x4f: {  	v3 =	vld [tilespmem:$0x80]  }
0x50: {  	v4 =	vld [tilespmem:$0x0];
	_ =	sdelay $0x1  }
0x51: {  	v5 =	vadd.f32 v1, v1  }
0x52: {  	v6 =	vld [tilespmem:$0x4200];
	v7 =	vadd.f32 v2, v2  }
0x53: {  	v8 =	vadd.f32 v3, v3;
	v5 =	vsub.f32 $1.000000000e+00, v5  }
0x54: {  	v9 =	vadd.f32 v4, v4;
	v7 =	vsub.f32 $1.000000000e+00, v7  }
0x55: {  	v8 =	vsub.f32 $1.000000000e+00, v8;
	v10 =	vsub.f32 $0.0e+00, v5  }
0x56: {  	v9 =	vsub.f32 $1.000000000e+00, v9;
	v11 =	vsub.f32 $0.0e+00, v7  }
0x57: {  	v12 =	vsub.f32 $0.0e+00, v8;
	v10 =	vmul.f32 v10, v6  }
0x58: {  	v13 =	vsub.f32 $0.0e+00, v9;
	v11 =	vmul.f32 v11, v6  }
0x59: {  	v12 =	vmul.f32 v12, v6;
	v10 =	vmul.f32 $1.442695020e+00, v10  }
0x5a: {  	v6 =	vmul.f32 v13, v6;
	v11 =	vmul.f32 $1.442695020e+00, v11  }
0x5b: {  	v12 =	vmul.f32 $1.442695020e+00, v12;
	(erf) = vpow2.f32 v10  }
0x5c: {  	v6 =	vmul.f32 $1.442695020e+00, v6;
	(erf) = vpow2.f32 v11  }
0x5d: {  	(erf) = vpow2.f32 v12  }
0x5e: {  	(erf) = vpow2.f32 v6;
	_ =	sdelay $0x5  }
0x5f: {  	v6 =	vpop (erf)  }
0x60: {  	v6 =	vadd.f32 $1.000000000e+00, v6;
	v10 =	vpop (erf)  }
0x61: {  	v10 =	vadd.f32 $1.000000000e+00, v10;
	v11 =	vpop (erf)  }
0x62: {  	v11 =	vadd.f32 $1.000000000e+00, v11;
	v12 =	vpop (erf);
	(erf) = vrcp.f32 v6  }
0x63: {  	v6 =	vadd.f32 $1.000000000e+00, v12;
	(erf) = vrcp.f32 v10  }
0x64: {  	(erf) = vrcp.f32 v11  }
0x65: {  	(erf) = vrcp.f32 v6  }
0x66: {  	v6 =	vld [tilespmem:$0x4080]  }
0x67: {  	v10 =	vld [tilespmem:$0x4180]  }
0x68: {  	v11 =	vld [tilespmem:$0x4100]  }
0x69: {  	v12 =	vld [tilespmem:$0x4000];
	_ =	sdelay $0x1  }
0x6a: {  	v13 =	vpop (erf)  }
0x6b: {  	vm0 =	vlt.f32 v10, v13;
	v10 =	vpop (erf)  }
0x6c: {  	vm1 =	vlt.f32 v11, v10;
	v13 =	vsel vm0, $0x3F800000, v0;
	v11 =	vpop (erf)  }
0x6d: {  	vm0 =	vlt.f32 v6, v11;
	v6 =	vsel vm1, $0x3F800000, v0;
	v5 =	vmul.f32 v13, v5;
	v10 =	vpop (erf)  }
0x6e: {  	vm1 =	vlt.f32 v12, v10;
	v10 =	vsel vm0, $0x3F800000, v0;
	v6 =	vmul.f32 v6, v7  }
0x6f: {  	v7 =	vsel vm1, $0x3F800000, v0;
	v8 =	vmul.f32 v10, v8;
	v1 =	vadd.f32 v5, v1  }
.Ltmp1:
0x70: {  	v5 =	vmul.f32 v7, v9;
	v2 =	vadd.f32 v6, v2;
	(pc) =	sbr.rel @p0 .LBB2_1-.Ltmp1, $4  }
0x71: {  	v3 =	vadd.f32 v8, v3;
	[tilespmem:$0x180] =	vst v1  }
0x72: {  	v1 =	vadd.f32 v5, v4;
	[tilespmem:$0x100] =	vst v2  }
0x73: {  	[tilespmem:$0x80] =	vst v3  }
0x74: {  	[tilespmem:$0x0] =	vst v1  }
.LBB2_2:
0x75: {  	[hbm4b:s11+s4] =	stream.strided.scatter [tilespmem:s2], [sflag:$0x1], $0x4000, s6, s4, $0x38;
	[tilespmem:$0x4280] =	vst v63  }
0x76: {  	_ =	swait.ge [sflag:s3], $0x4000  }
0x77: {  	[sflag:s3] =	ssyncset.done $0x0  }
0x78: {  	[sflag:s3] =	ssyncadd.s32 $0xFFFFC000  }
0x79: {  	_ =	sfence.sel $0x180000  }
0x7a: {  	[bflag:$0x0] =	sbarrier.arrive $0xFFFF  }
0x7b: {  	p0 =	sne.s32 s0, $0x0;
	_ =	strace $0x90000047  }
0x7c: {  	s0 =	sadd.s32 @!p0 $0x100000, s1;
	[bflag:$0x2] =	sbarrier.arrive $0xFFFF  }
0x7d: {  	[sflag:s0] =	ssyncadd.tile.s32 @!p0 $0x1;
	_ =	shalt  }
.Lfunc_end2:
_tile_overlayer_lowered:
.L_overlay_start_2:
0x7e: {  	(tag) =	ssettag $0x2  }
0x7f: {  	s0 =	rddreg [dreg:$0x0];
	s2 =	stileid.u32  }
0x80: {  	s1 =	rddreg [dreg:$0x1];
	p0 =	sne.s32 s2, $0x0  }
0x81: {  	s3 =	rddreg [dreg:$0x2];
	[bflag:$0x3] =	sbarrier.arrive $0xFFFF;
	s2 =	simm.s32 @!p0 $0x1C01  }
0x82: {  	[timem:s3], [sflag:s2] =	dma.local @!p0 [hbm:s0], s1  }
0x83: {  	s0 =	simm.s32 @!p0 $0x1  }
0x84: {  	_ =	swait.ge @!p0 [sflag:s0], s1  }
0x85: {  	s1 =	ssub.s32 @!p0 $0x0, s1;
	[sflag:s0] =	ssyncset.done @!p0 $0x0  }
0x86: {  	[sflag:s0] =	ssyncadd.s32 @!p0 s1  }
0x87: {  	[bflag:$0x3] =	sbarrier.arrive $0xFFFF  }
0x88: {  	_ =	shalt  }

</sc_bundles>
